<compile_context>
chip_gen: v7x
topology: tpu7x:2x2x1
jax: 0.10.2.dev20260603
libtpu: 0.0.44.dev20260713+nightly
codegen_flags: <defaults>
</compile_context>

<pallas_src>
import functools

import jax
import jax.numpy as jnp
from jax import lax
from jax.experimental import pallas as pl
from jax.experimental.pallas import tpu as pltpu
from jax.experimental.pallas import tpu_sc as plsc

NC = 2
NS = 16
NW = NC * NS
CH = 128
NSLOT = 8
LAG = NSLOT // 2


def _make_gather(n_b: int, n_t: int, emb: int):
    assert n_b % (NW * CH) == 0
    b_per_w = n_b // NW
    nj = b_per_w // CH
    nchunks = n_t * nj
    assert nchunks >= NSLOT
    mesh = plsc.VectorSubcoreMesh(core_axis_name="c", subcore_axis_name="s")

    @functools.partial(
        pl.kernel,
        mesh=mesh,
        out_type=jax.ShapeDtypeStruct((n_b, n_t, emb), jnp.float32),
        scratch_types=[
            pltpu.VMEM((n_t, b_per_w), jnp.int32),
            pltpu.VMEM((NSLOT, CH, emb), jnp.float32),
            pltpu.SemaphoreType.DMA((NSLOT,)),
            pltpu.SemaphoreType.DMA((NSLOT,)),
        ],
        compiler_params=pltpu.CompilerParams(
            use_tc_tiling_on_sc=False, needs_layout_passes=False
        ),
    )
    def gather_kernel(idx_hbm, table_hbm, out_hbm, idx_v, rows_v, gsem, osem):
        wid = lax.axis_index("s") * NC + lax.axis_index("c")
        base = wid * b_per_w

        pltpu.sync_copy(idx_hbm.at[:, pl.ds(base, b_per_w)], idx_v)

        def g_copy(k, slot):
            t = k // nj
            j = k % nj
            return pltpu.make_async_copy(
                table_hbm.at[idx_v.at[t, pl.ds(j * CH, CH)]],
                rows_v.at[slot], gsem.at[slot],
            )

        def o_copy(k, slot):
            t = k // nj
            j = k % nj
            return pltpu.make_async_copy(
                rows_v.at[slot],
                out_hbm.at[pl.ds(base + j * CH, CH), t],
                osem.at[slot],
            )

        def prime(k, carry):
            g_copy(k, k).start()
            return carry

        lax.fori_loop(0, LAG, prime, 0)

        def step(k, carry):
            slot = lax.rem(k, NSLOT)
            g_copy(k, slot).wait()
            o_copy(k, slot).start()
            kn = k + LAG
            slotn = lax.rem(kn, NSLOT)

            @pl.when(kn < nchunks)
            def _():
                @pl.when(k >= LAG)
                def _():
                    o_copy(k - LAG, slotn).wait()

                g_copy(kn, slotn).start()

            return carry

        lax.fori_loop(0, nchunks, step, 0)

        def drain(k, carry):
            o_copy(k, lax.rem(k, NSLOT)).wait()
            return carry

        lax.fori_loop(nchunks - NSLOT, nchunks, drain, 0)

    return gather_kernel


def kernel(data, ivectors):
    n_b, n_t = data.shape
    _, emb = ivectors.shape
    idx_t = data.T.astype(jnp.int32)
    return _make_gather(n_b, n_t, emb)(idx_t, ivectors)

# --- scband reference (transcript-rebuilt; emitter-appended) ---
"""Pipeline reference for scband-word2-vec-19679540150968 (READ-ONLY COPY).

The authoritative reference and input builder live on the scoring server;
editing this copy changes nothing except your own understanding.
"""

import jax, jax.numpy as jnp
import numpy as np

VOCAB = 1000000
EMB = 64
PAD_IDX = 0

def setup_inputs(seed: int = 0) -> dict:
    key = jax.random.key(seed)
    k1, k2 = jax.random.split(key)
    data = jax.random.randint(k1, (16384, 20), 0, VOCAB, dtype=jnp.int64 if jax.config.jax_enable_x64 else jnp.int32)
    bound = 0.5 / EMB
    ivectors = jax.random.uniform(k2, (VOCAB + 1, EMB), dtype=jnp.float32, minval=-bound, maxval=bound)
    return {"data": data, "ivectors": ivectors}

def reference(data, ivectors):
    # Word2Vec.forward -> forward_i: embedding lookup into ivectors table
    return jnp.take(ivectors, data, axis=0)

if __name__ == "__main__":
    import jax
    _d = setup_inputs()
    print(jax.jit(kernel)(*tuple(_d.values())))

</pallas_src>

<mosaic_0001>
#map = affine_map<(d0, d1) -> (0, 0)>
#map1 = affine_map<(d0, d1) -> (0, 0, 0)>
module attributes {stable_mosaic.version = 14 : i64} {
  func.func @gather_kernel(%arg0: i32, %arg1: i32, %arg2: memref<20x16384xi32, #tpu.memory_space<hbm>>, %arg3: memref<1000001x64xf32, #tpu.memory_space<hbm>>, %arg4: memref<16384x20x64xf32, #tpu.memory_space<hbm>>, %arg5: memref<20x512xi32, #tpu.memory_space<vmem>>, %arg6: memref<8x128x64xf32, #tpu.memory_space<vmem>>, %arg7: memref<8x!tpu.dma_semaphore, #tpu.memory_space<semaphore_mem>>, %arg8: memref<8x!tpu.dma_semaphore, #tpu.memory_space<semaphore_mem>>) attributes {dimension_semantics = [#tpu.dimension_semantics<core_parallel>, #tpu.dimension_semantics<subcore_parallel>], iteration_bounds = array<i64: 2, 16>, scalar_prefetch = 0 : i64, scratch_operands = 4 : i64, tpu.core_type = #tpu.core_type<sc_vector_subcore>, window_params = [{transform_indices = #map}, {transform_indices = #map}, {transform_indices = #map1}]} {
    %mul3A = arith.constant 2 : i32
    %mul3A_0 = arith.muli %arg1, %mul3A : i32
    %add3A = arith.addi %mul3A_0, %arg0 : i32
    %mul3A_1 = arith.constant 512 : i32
    %mul3A_2 = arith.muli %add3A, %mul3A_1 : i32
    "tpu.region"() ({
      %run_scoped3A = tpu.sem_alloc : memref<!tpu.dma_semaphore, #tpu.memory_space<semaphore_mem>>
      %dma_start3A = arith.constant 0 : i32
      %dma_start3A_20 = tpu.memref_slice %arg2[%dma_start3A, %mul3A_2] : memref<20x16384xi32, #tpu.memory_space<hbm>> -> memref<20x512xi32, #tpu.memory_space<hbm>>
      %dma_start3A_21 = arith.constant 0 : i32
      %dma_start3A_22 = tpu.memref_slice %arg2[%dma_start3A_21, %mul3A_2] : memref<20x16384xi32, #tpu.memory_space<hbm>> -> memref<20x512xi32, #tpu.memory_space<hbm>>
      tpu.enqueue_dma source(%dma_start3A_22 : memref<20x512xi32, #tpu.memory_space<hbm>>) target(%arg5 : memref<20x512xi32, #tpu.memory_space<vmem>>) target_semaphore(%run_scoped3A : memref<!tpu.dma_semaphore, #tpu.memory_space<semaphore_mem>>)
      %dma_wait3A = arith.constant 0 : i32
      %dma_wait3A_23 = tpu.memref_slice %arg2[%dma_wait3A, %mul3A_2] : memref<20x16384xi32, #tpu.memory_space<hbm>> -> memref<20x512xi32, #tpu.memory_space<hbm>>
      %dma_wait3A_24 = arith.constant 0 : i32
      %dma_wait3A_25 = tpu.memref_slice %arg2[%dma_wait3A_24, %mul3A_2] : memref<20x16384xi32, #tpu.memory_space<hbm>> -> memref<20x512xi32, #tpu.memory_space<hbm>>
      tpu.wait_dma2 semaphore(%run_scoped3A : memref<!tpu.dma_semaphore, #tpu.memory_space<semaphore_mem>>) src(%dma_wait3A_25 : memref<20x512xi32, #tpu.memory_space<hbm>>) dst(%arg5 : memref<20x512xi32, #tpu.memory_space<vmem>>)
      tpu.yield
    }) : () -> ()
    %scan3A = arith.constant 0 : i32
    %scan3A_3 = arith.constant 0 : i32
    %scan3A_4 = arith.constant 4 : i32
    %scan3A_5 = arith.addi %scan3A_3, %scan3A_4 : i32
    %scan3A_6 = arith.constant 1 : i32
    scf.for %scan3A_20 = %scan3A_3 to %scan3A_5 step %scan3A_6  : i32 {
      %jit3A = arith.constant 4 : i32
      %div3A = arith.divsi %scan3A_20, %jit3A : i32
      %sign3A = arith.constant 0 : i32
      %sign3A_21 = arith.cmpi sgt, %scan3A_20, %sign3A : i32
      %sign3A_22 = arith.extui %sign3A_21 : i1 to i32
      %sign3A_23 = arith.constant 0 : i32
      %sign3A_24 = arith.cmpi slt, %scan3A_20, %sign3A_23 : i32
      %sign3A_25 = arith.extui %sign3A_24 : i1 to i32
      %sign3A_26 = arith.subi %sign3A_22, %sign3A_25 : i32
      %sign3A_27 = arith.constant 0 : i32
      %sign3A_28 = arith.cmpi sgt, %jit3A, %sign3A_27 : i32
      %sign3A_29 = arith.extui %sign3A_28 : i1 to i32
      %sign3A_30 = arith.constant 0 : i32
      %sign3A_31 = arith.cmpi slt, %jit3A, %sign3A_30 : i32
      %sign3A_32 = arith.extui %sign3A_31 : i1 to i32
      %sign3A_33 = arith.subi %sign3A_29, %sign3A_32 : i32
      %ne3A = arith.cmpi ne, %sign3A_26, %sign3A_33 : i32
      %rem3A = arith.remsi %scan3A_20, %jit3A : i32
      %ne3A_34 = arith.constant 0 : i32
      %ne3A_35 = arith.cmpi ne, %rem3A, %ne3A_34 : i32
      %and3A = arith.andi %ne3A, %ne3A_35 : i1
      %sub3A = arith.constant 1 : i32
      %sub3A_36 = arith.subi %div3A, %sub3A : i32
      %select_n3A = arith.select %and3A, %sub3A_36, %div3A : i32
      %jit3A_37 = arith.constant 4 : i32
      %eq3A = arith.constant 0 : i32
      %eq3A_38 = arith.cmpi eq, %jit3A_37, %eq3A : i32
      %jit3A_39 = arith.constant 1 : i32
      %select_n3A_40 = arith.select %eq3A_38, %jit3A_39, %jit3A_37 : i32
      %rem3A_41 = arith.remsi %scan3A_20, %select_n3A_40 : i32
      %ne3A_42 = arith.constant 0 : i32
      %ne3A_43 = arith.cmpi ne, %rem3A_41, %ne3A_42 : i32
      %lt3A = arith.constant 0 : i32
      %lt3A_44 = arith.cmpi slt, %rem3A_41, %lt3A : i32
      %lt3A_45 = arith.constant 0 : i32
      %lt3A_46 = arith.cmpi slt, %select_n3A_40, %lt3A_45 : i32
      %ne3A_47 = arith.xori %lt3A_44, %lt3A_46 : i1
      %and3A_48 = arith.andi %ne3A_47, %ne3A_43 : i1
      %add3A_49 = arith.addi %rem3A_41, %select_n3A_40 : i32
      %select_n3A_50 = arith.select %and3A_48, %add3A_49, %rem3A_41 : i32
      %mul3A_51 = arith.constant 128 : i32
      %mul3A_52 = arith.muli %select_n3A_50, %mul3A_51 : i32
      %dma_start3A = arith.constant 0 : i32
      %dma_start3A_53 = arith.constant 0 : i32
      %dma_start3A_54 = tpu.memref_slice %arg6[%scan3A_20, %dma_start3A, %dma_start3A_53] : memref<8x128x64xf32, #tpu.memory_space<vmem>> -> memref<1x128x64xf32, #tpu.memory_space<vmem>>
      %dma_start3A_55 = tpu.memref_squeeze %dma_start3A_54 : memref<1x128x64xf32, #tpu.memory_space<vmem>> -> memref<128x64xf32, #tpu.memory_space<vmem>>
      %dma_start3A_56 = tpu.memref_slice %arg5[%select_n3A, %mul3A_52] : memref<20x512xi32, #tpu.memory_space<vmem>> -> memref<1x128xi32, #tpu.memory_space<vmem>>
      %dma_start3A_57 = tpu.memref_squeeze %dma_start3A_56 : memref<1x128xi32, #tpu.memory_space<vmem>> -> memref<128xi32, #tpu.memory_space<vmem>>
      %dma_start3A_58 = arith.constant 0 : i32
      %dma_start3A_59 = arith.constant 0 : i32
      %dma_start3A_60 = tpu.memref_slice %arg3[%dma_start3A_58, %dma_start3A_59] : memref<1000001x64xf32, #tpu.memory_space<hbm>> -> memref<1000001x64xf32, #tpu.memory_space<hbm>>
      %dma_start3A_61 = tpu.memref_slice %arg7[%scan3A_20] : memref<8x!tpu.dma_semaphore, #tpu.memory_space<semaphore_mem>> -> memref<1x!tpu.dma_semaphore, #tpu.memory_space<semaphore_mem>>
      %dma_start3A_62 = tpu.memref_squeeze %dma_start3A_61 : memref<1x!tpu.dma_semaphore, #tpu.memory_space<semaphore_mem>> -> memref<!tpu.dma_semaphore, #tpu.memory_space<semaphore_mem>>
      tpu.enqueue_indirect_dma source(%dma_start3A_60 : memref<1000001x64xf32, #tpu.memory_space<hbm>>) target(%dma_start3A_55 : memref<128x64xf32, #tpu.memory_space<vmem>>) offsets(%dma_start3A_57 : memref<128xi32, #tpu.memory_space<vmem>>) semaphore(%dma_start3A_62 : memref<!tpu.dma_semaphore, #tpu.memory_space<semaphore_mem>>)
    }
    %scan3A_7 = arith.constant 4 : i32
    %scan3A_8 = arith.constant 0 : i32
    %scan3A_9 = arith.constant 0 : i32
    %scan3A_10 = arith.constant 80 : i32
    %scan3A_11 = arith.addi %scan3A_9, %scan3A_10 : i32
    %scan3A_12 = arith.constant 1 : i32
    scf.for %scan3A_20 = %scan3A_9 to %scan3A_11 step %scan3A_12  : i32 {
      %rem3A = arith.constant 8 : i32
      %rem3A_21 = arith.remsi %scan3A_20, %rem3A : i32
      %jit3A = arith.constant 4 : i32
      %div3A = arith.divsi %scan3A_20, %jit3A : i32
      %sign3A = arith.constant 0 : i32
      %sign3A_22 = arith.cmpi sgt, %scan3A_20, %sign3A : i32
      %sign3A_23 = arith.extui %sign3A_22 : i1 to i32
      %sign3A_24 = arith.constant 0 : i32
      %sign3A_25 = arith.cmpi slt, %scan3A_20, %sign3A_24 : i32
      %sign3A_26 = arith.extui %sign3A_25 : i1 to i32
      %sign3A_27 = arith.subi %sign3A_23, %sign3A_26 : i32
      %sign3A_28 = arith.constant 0 : i32
      %sign3A_29 = arith.cmpi sgt, %jit3A, %sign3A_28 : i32
      %sign3A_30 = arith.extui %sign3A_29 : i1 to i32
      %sign3A_31 = arith.constant 0 : i32
      %sign3A_32 = arith.cmpi slt, %jit3A, %sign3A_31 : i32
      %sign3A_33 = arith.extui %sign3A_32 : i1 to i32
      %sign3A_34 = arith.subi %sign3A_30, %sign3A_33 : i32
      %ne3A = arith.cmpi ne, %sign3A_27, %sign3A_34 : i32
      %rem3A_35 = arith.remsi %scan3A_20, %jit3A : i32
      %ne3A_36 = arith.constant 0 : i32
      %ne3A_37 = arith.cmpi ne, %rem3A_35, %ne3A_36 : i32
      %and3A = arith.andi %ne3A, %ne3A_37 : i1
      %sub3A = arith.constant 1 : i32
      %sub3A_38 = arith.subi %div3A, %sub3A : i32
      %select_n3A = arith.select %and3A, %sub3A_38, %div3A : i32
      %jit3A_39 = arith.constant 4 : i32
      %eq3A = arith.constant 0 : i32
      %eq3A_40 = arith.cmpi eq, %jit3A_39, %eq3A : i32
      %jit3A_41 = arith.constant 1 : i32
      %select_n3A_42 = arith.select %eq3A_40, %jit3A_41, %jit3A_39 : i32
      %rem3A_43 = arith.remsi %scan3A_20, %select_n3A_42 : i32
      %ne3A_44 = arith.constant 0 : i32
      %ne3A_45 = arith.cmpi ne, %rem3A_43, %ne3A_44 : i32
      %lt3A = arith.constant 0 : i32
      %lt3A_46 = arith.cmpi slt, %rem3A_43, %lt3A : i32
      %lt3A_47 = arith.constant 0 : i32
      %lt3A_48 = arith.cmpi slt, %select_n3A_42, %lt3A_47 : i32
      %ne3A_49 = arith.xori %lt3A_46, %lt3A_48 : i1
      %and3A_50 = arith.andi %ne3A_49, %ne3A_45 : i1
      %add3A_51 = arith.addi %rem3A_43, %select_n3A_42 : i32
      %select_n3A_52 = arith.select %and3A_50, %add3A_51, %rem3A_43 : i32
      %mul3A_53 = arith.constant 128 : i32
      %mul3A_54 = arith.muli %select_n3A_52, %mul3A_53 : i32
      %dma_wait3A = arith.constant 0 : i32
      %dma_wait3A_55 = arith.constant 0 : i32
      %dma_wait3A_56 = tpu.memref_slice %arg6[%rem3A_21, %dma_wait3A, %dma_wait3A_55] : memref<8x128x64xf32, #tpu.memory_space<vmem>> -> memref<1x128x64xf32, #tpu.memory_space<vmem>>
      %dma_wait3A_57 = tpu.memref_squeeze %dma_wait3A_56 : memref<1x128x64xf32, #tpu.memory_space<vmem>> -> memref<128x64xf32, #tpu.memory_space<vmem>>
      %dma_wait3A_58 = tpu.memref_slice %arg5[%select_n3A, %mul3A_54] : memref<20x512xi32, #tpu.memory_space<vmem>> -> memref<1x128xi32, #tpu.memory_space<vmem>>
      %dma_wait3A_59 = tpu.memref_squeeze %dma_wait3A_58 : memref<1x128xi32, #tpu.memory_space<vmem>> -> memref<128xi32, #tpu.memory_space<vmem>>
      %dma_wait3A_60 = arith.constant 0 : i32
      %dma_wait3A_61 = arith.constant 0 : i32
      %dma_wait3A_62 = tpu.memref_slice %arg3[%dma_wait3A_60, %dma_wait3A_61] : memref<1000001x64xf32, #tpu.memory_space<hbm>> -> memref<1000001x64xf32, #tpu.memory_space<hbm>>
      %dma_wait3A_63 = tpu.memref_slice %arg7[%rem3A_21] : memref<8x!tpu.dma_semaphore, #tpu.memory_space<semaphore_mem>> -> memref<1x!tpu.dma_semaphore, #tpu.memory_space<semaphore_mem>>
      %dma_wait3A_64 = tpu.memref_squeeze %dma_wait3A_63 : memref<1x!tpu.dma_semaphore, #tpu.memory_space<semaphore_mem>> -> memref<!tpu.dma_semaphore, #tpu.memory_space<semaphore_mem>>
      tpu.wait_indirect_dma semaphore(%dma_wait3A_64 : memref<!tpu.dma_semaphore, #tpu.memory_space<semaphore_mem>>) src(%dma_wait3A_62 : memref<1000001x64xf32, #tpu.memory_space<hbm>>) dst(%dma_wait3A_57 : memref<128x64xf32, #tpu.memory_space<vmem>>)
      %jit3A_65 = arith.constant 4 : i32
      %div3A_66 = arith.divsi %scan3A_20, %jit3A_65 : i32
      %sign3A_67 = arith.constant 0 : i32
      %sign3A_68 = arith.cmpi sgt, %scan3A_20, %sign3A_67 : i32
      %sign3A_69 = arith.extui %sign3A_68 : i1 to i32
      %sign3A_70 = arith.constant 0 : i32
      %sign3A_71 = arith.cmpi slt, %scan3A_20, %sign3A_70 : i32
      %sign3A_72 = arith.extui %sign3A_71 : i1 to i32
      %sign3A_73 = arith.subi %sign3A_69, %sign3A_72 : i32
      %sign3A_74 = arith.constant 0 : i32
      %sign3A_75 = arith.cmpi sgt, %jit3A_65, %sign3A_74 : i32
      %sign3A_76 = arith.extui %sign3A_75 : i1 to i32
      %sign3A_77 = arith.constant 0 : i32
      %sign3A_78 = arith.cmpi slt, %jit3A_65, %sign3A_77 : i32
      %sign3A_79 = arith.extui %sign3A_78 : i1 to i32
      %sign3A_80 = arith.subi %sign3A_76, %sign3A_79 : i32
      %ne3A_81 = arith.cmpi ne, %sign3A_73, %sign3A_80 : i32
      %rem3A_82 = arith.remsi %scan3A_20, %jit3A_65 : i32
      %ne3A_83 = arith.constant 0 : i32
      %ne3A_84 = arith.cmpi ne, %rem3A_82, %ne3A_83 : i32
      %and3A_85 = arith.andi %ne3A_81, %ne3A_84 : i1
      %sub3A_86 = arith.constant 1 : i32
      %sub3A_87 = arith.subi %div3A_66, %sub3A_86 : i32
      %select_n3A_88 = arith.select %and3A_85, %sub3A_87, %div3A_66 : i32
      %jit3A_89 = arith.constant 4 : i32
      %eq3A_90 = arith.constant 0 : i32
      %eq3A_91 = arith.cmpi eq, %jit3A_89, %eq3A_90 : i32
      %jit3A_92 = arith.constant 1 : i32
      %select_n3A_93 = arith.select %eq3A_91, %jit3A_92, %jit3A_89 : i32
      %rem3A_94 = arith.remsi %scan3A_20, %select_n3A_93 : i32
      %ne3A_95 = arith.constant 0 : i32
      %ne3A_96 = arith.cmpi ne, %rem3A_94, %ne3A_95 : i32
      %lt3A_97 = arith.constant 0 : i32
      %lt3A_98 = arith.cmpi slt, %rem3A_94, %lt3A_97 : i32
      %lt3A_99 = arith.constant 0 : i32
      %lt3A_100 = arith.cmpi slt, %select_n3A_93, %lt3A_99 : i32
      %ne3A_101 = arith.xori %lt3A_98, %lt3A_100 : i1
      %and3A_102 = arith.andi %ne3A_101, %ne3A_96 : i1
      %add3A_103 = arith.addi %rem3A_94, %select_n3A_93 : i32
      %select_n3A_104 = arith.select %and3A_102, %add3A_103, %rem3A_94 : i32
      %mul3A_105 = arith.constant 128 : i32
      %mul3A_106 = arith.muli %select_n3A_104, %mul3A_105 : i32
      %add3A_107 = arith.addi %mul3A_2, %mul3A_106 : i32
      %dma_start3A = arith.constant 0 : i32
      %dma_start3A_108 = arith.constant 0 : i32
      %dma_start3A_109 = tpu.memref_slice %arg6[%rem3A_21, %dma_start3A, %dma_start3A_108] : memref<8x128x64xf32, #tpu.memory_space<vmem>> -> memref<1x128x64xf32, #tpu.memory_space<vmem>>
      %dma_start3A_110 = tpu.memref_squeeze %dma_start3A_109 : memref<1x128x64xf32, #tpu.memory_space<vmem>> -> memref<128x64xf32, #tpu.memory_space<vmem>>
      %dma_start3A_111 = arith.constant 0 : i32
      %dma_start3A_112 = tpu.memref_slice %arg4[%add3A_107, %select_n3A_88, %dma_start3A_111] : memref<16384x20x64xf32, #tpu.memory_space<hbm>> -> memref<128x1x64xf32, #tpu.memory_space<hbm>>
      %dma_start3A_113 = tpu.memref_squeeze %dma_start3A_112 : memref<128x1x64xf32, #tpu.memory_space<hbm>> -> memref<128x64xf32, #tpu.memory_space<hbm>>
      %dma_start3A_114 = tpu.memref_slice %arg8[%rem3A_21] : memref<8x!tpu.dma_semaphore, #tpu.memory_space<semaphore_mem>> -> memref<1x!tpu.dma_semaphore, #tpu.memory_space<semaphore_mem>>
      %dma_start3A_115 = tpu.memref_squeeze %dma_start3A_114 : memref<1x!tpu.dma_semaphore, #tpu.memory_space<semaphore_mem>> -> memref<!tpu.dma_semaphore, #tpu.memory_space<semaphore_mem>>
      %dma_start3A_116 = arith.constant 0 : i32
      %dma_start3A_117 = tpu.memref_slice %arg4[%add3A_107, %select_n3A_88, %dma_start3A_116] : memref<16384x20x64xf32, #tpu.memory_space<hbm>> -> memref<128x1x64xf32, #tpu.memory_space<hbm>>
      %dma_start3A_118 = tpu.memref_squeeze %dma_start3A_117 : memref<128x1x64xf32, #tpu.memory_space<hbm>> -> memref<128x64xf32, #tpu.memory_space<hbm>>
      %dma_start3A_119 = arith.constant 0 : i32
      %dma_start3A_120 = arith.constant 0 : i32
      %dma_start3A_121 = tpu.memref_slice %arg6[%rem3A_21, %dma_start3A_119, %dma_start3A_120] : memref<8x128x64xf32, #tpu.memory_space<vmem>> -> memref<1x128x64xf32, #tpu.memory_space<vmem>>
      %dma_start3A_122 = tpu.memref_squeeze %dma_start3A_121 : memref<1x128x64xf32, #tpu.memory_space<vmem>> -> memref<128x64xf32, #tpu.memory_space<vmem>>
      tpu.enqueue_dma source(%dma_start3A_122 : memref<128x64xf32, #tpu.memory_space<vmem>>) target(%dma_start3A_118 : memref<128x64xf32, #tpu.memory_space<hbm>>) target_semaphore(%dma_start3A_115 : memref<!tpu.dma_semaphore, #tpu.memory_space<semaphore_mem>>)
      %add3A_123 = arith.constant 4 : i32
      %add3A_124 = arith.addi %scan3A_20, %add3A_123 : i32
      %rem3A_125 = arith.constant 8 : i32
      %rem3A_126 = arith.remsi %add3A_124, %rem3A_125 : i32
      %lt3A_127 = arith.constant 80 : i32
      %lt3A_128 = arith.cmpi slt, %add3A_124, %lt3A_127 : i32
      %convert_element_type3A = arith.extui %lt3A_128 : i1 to i32
      %cond3A = arith.constant 0 : i32
      %cond3A_129 = arith.cmpi ne, %convert_element_type3A, %cond3A : i32
      scf.if %cond3A_129 {
        %ge3A = arith.constant 4 : i32
        %ge3A_130 = arith.cmpi sge, %scan3A_20, %ge3A : i32
        %convert_element_type3A_131 = arith.extui %ge3A_130 : i1 to i32
        %cond3A_132 = arith.constant 0 : i32
        %cond3A_133 = arith.cmpi ne, %convert_element_type3A_131, %cond3A_132 : i32
        scf.if %cond3A_133 {
          %sub3A_187 = arith.constant 4 : i32
          %sub3A_188 = arith.subi %scan3A_20, %sub3A_187 : i32
          %jit3A_189 = arith.constant 4 : i32
          %div3A_190 = arith.divsi %sub3A_188, %jit3A_189 : i32
          %sign3A_191 = arith.constant 0 : i32
          %sign3A_192 = arith.cmpi sgt, %sub3A_188, %sign3A_191 : i32
          %sign3A_193 = arith.extui %sign3A_192 : i1 to i32
          %sign3A_194 = arith.constant 0 : i32
          %sign3A_195 = arith.cmpi slt, %sub3A_188, %sign3A_194 : i32
          %sign3A_196 = arith.extui %sign3A_195 : i1 to i32
          %sign3A_197 = arith.subi %sign3A_193, %sign3A_196 : i32
          %sign3A_198 = arith.constant 0 : i32
          %sign3A_199 = arith.cmpi sgt, %jit3A_189, %sign3A_198 : i32
          %sign3A_200 = arith.extui %sign3A_199 : i1 to i32
          %sign3A_201 = arith.constant 0 : i32
          %sign3A_202 = arith.cmpi slt, %jit3A_189, %sign3A_201 : i32
          %sign3A_203 = arith.extui %sign3A_202 : i1 to i32
          %sign3A_204 = arith.subi %sign3A_200, %sign3A_203 : i32
          %ne3A_205 = arith.cmpi ne, %sign3A_197, %sign3A_204 : i32
          %rem3A_206 = arith.remsi %sub3A_188, %jit3A_189 : i32
          %ne3A_207 = arith.constant 0 : i32
          %ne3A_208 = arith.cmpi ne, %rem3A_206, %ne3A_207 : i32
          %and3A_209 = arith.andi %ne3A_205, %ne3A_208 : i1
          %sub3A_210 = arith.constant 1 : i32
          %sub3A_211 = arith.subi %div3A_190, %sub3A_210 : i32
          %select_n3A_212 = arith.select %and3A_209, %sub3A_211, %div3A_190 : i32
          %jit3A_213 = arith.constant 4 : i32
          %eq3A_214 = arith.constant 0 : i32
          %eq3A_215 = arith.cmpi eq, %jit3A_213, %eq3A_214 : i32
          %jit3A_216 = arith.constant 1 : i32
          %select_n3A_217 = arith.select %eq3A_215, %jit3A_216, %jit3A_213 : i32
          %rem3A_218 = arith.remsi %sub3A_188, %select_n3A_217 : i32
          %ne3A_219 = arith.constant 0 : i32
          %ne3A_220 = arith.cmpi ne, %rem3A_218, %ne3A_219 : i32
          %lt3A_221 = arith.constant 0 : i32
          %lt3A_222 = arith.cmpi slt, %rem3A_218, %lt3A_221 : i32
          %lt3A_223 = arith.constant 0 : i32
          %lt3A_224 = arith.cmpi slt, %select_n3A_217, %lt3A_223 : i32
          %ne3A_225 = arith.xori %lt3A_222, %lt3A_224 : i1
          %and3A_226 = arith.andi %ne3A_225, %ne3A_220 : i1
          %add3A_227 = arith.addi %rem3A_218, %select_n3A_217 : i32
          %select_n3A_228 = arith.select %and3A_226, %add3A_227, %rem3A_218 : i32
          %mul3A_229 = arith.constant 128 : i32
          %mul3A_230 = arith.muli %select_n3A_228, %mul3A_229 : i32
          %add3A_231 = arith.addi %mul3A_2, %mul3A_230 : i32
          %dma_wait3A_232 = arith.constant 0 : i32
          %dma_wait3A_233 = arith.constant 0 : i32
          %dma_wait3A_234 = tpu.memref_slice %arg6[%rem3A_126, %dma_wait3A_232, %dma_wait3A_233] : memref<8x128x64xf32, #tpu.memory_space<vmem>> -> memref<1x128x64xf32, #tpu.memory_space<vmem>>
          %dma_wait3A_235 = tpu.memref_squeeze %dma_wait3A_234 : memref<1x128x64xf32, #tpu.memory_space<vmem>> -> memref<128x64xf32, #tpu.memory_space<vmem>>
          %dma_wait3A_236 = arith.constant 0 : i32
          %dma_wait3A_237 = tpu.memref_slice %arg4[%add3A_231, %select_n3A_212, %dma_wait3A_236] : memref<16384x20x64xf32, #tpu.memory_space<hbm>> -> memref<128x1x64xf32, #tpu.memory_space<hbm>>
          %dma_wait3A_238 = tpu.memref_squeeze %dma_wait3A_237 : memref<128x1x64xf32, #tpu.memory_space<hbm>> -> memref<128x64xf32, #tpu.memory_space<hbm>>
          %dma_wait3A_239 = tpu.memref_slice %arg8[%rem3A_126] : memref<8x!tpu.dma_semaphore, #tpu.memory_space<semaphore_mem>> -> memref<1x!tpu.dma_semaphore, #tpu.memory_space<semaphore_mem>>
          %dma_wait3A_240 = tpu.memref_squeeze %dma_wait3A_239 : memref<1x!tpu.dma_semaphore, #tpu.memory_space<semaphore_mem>> -> memref<!tpu.dma_semaphore, #tpu.memory_space<semaphore_mem>>
          %dma_wait3A_241 = arith.constant 0 : i32
          %dma_wait3A_242 = tpu.memref_slice %arg4[%add3A_231, %select_n3A_212, %dma_wait3A_241] : memref<16384x20x64xf32, #tpu.memory_space<hbm>> -> memref<128x1x64xf32, #tpu.memory_space<hbm>>
          %dma_wait3A_243 = tpu.memref_squeeze %dma_wait3A_242 : memref<128x1x64xf32, #tpu.memory_space<hbm>> -> memref<128x64xf32, #tpu.memory_space<hbm>>
          %dma_wait3A_244 = arith.constant 0 : i32
          %dma_wait3A_245 = arith.constant 0 : i32
          %dma_wait3A_246 = tpu.memref_slice %arg6[%rem3A_126, %dma_wait3A_244, %dma_wait3A_245] : memref<8x128x64xf32, #tpu.memory_space<vmem>> -> memref<1x128x64xf32, #tpu.memory_space<vmem>>
          %dma_wait3A_247 = tpu.memref_squeeze %dma_wait3A_246 : memref<1x128x64xf32, #tpu.memory_space<vmem>> -> memref<128x64xf32, #tpu.memory_space<vmem>>
          tpu.wait_dma2 semaphore(%dma_wait3A_240 : memref<!tpu.dma_semaphore, #tpu.memory_space<semaphore_mem>>) src(%dma_wait3A_247 : memref<128x64xf32, #tpu.memory_space<vmem>>) dst(%dma_wait3A_243 : memref<128x64xf32, #tpu.memory_space<hbm>>)
        } else {
        }
        %jit3A_134 = arith.constant 4 : i32
        %div3A_135 = arith.divsi %add3A_124, %jit3A_134 : i32
        %sign3A_136 = arith.constant 0 : i32
        %sign3A_137 = arith.cmpi sgt, %add3A_124, %sign3A_136 : i32
        %sign3A_138 = arith.extui %sign3A_137 : i1 to i32
        %sign3A_139 = arith.constant 0 : i32
        %sign3A_140 = arith.cmpi slt, %add3A_124, %sign3A_139 : i32
        %sign3A_141 = arith.extui %sign3A_140 : i1 to i32
        %sign3A_142 = arith.subi %sign3A_138, %sign3A_141 : i32
        %sign3A_143 = arith.constant 0 : i32
        %sign3A_144 = arith.cmpi sgt, %jit3A_134, %sign3A_143 : i32
        %sign3A_145 = arith.extui %sign3A_144 : i1 to i32
        %sign3A_146 = arith.constant 0 : i32
        %sign3A_147 = arith.cmpi slt, %jit3A_134, %sign3A_146 : i32
        %sign3A_148 = arith.extui %sign3A_147 : i1 to i32
        %sign3A_149 = arith.subi %sign3A_145, %sign3A_148 : i32
        %ne3A_150 = arith.cmpi ne, %sign3A_142, %sign3A_149 : i32
        %rem3A_151 = arith.remsi %add3A_124, %jit3A_134 : i32
        %ne3A_152 = arith.constant 0 : i32
        %ne3A_153 = arith.cmpi ne, %rem3A_151, %ne3A_152 : i32
        %and3A_154 = arith.andi %ne3A_150, %ne3A_153 : i1
        %sub3A_155 = arith.constant 1 : i32
        %sub3A_156 = arith.subi %div3A_135, %sub3A_155 : i32
        %select_n3A_157 = arith.select %and3A_154, %sub3A_156, %div3A_135 : i32
        %jit3A_158 = arith.constant 4 : i32
        %eq3A_159 = arith.constant 0 : i32
        %eq3A_160 = arith.cmpi eq, %jit3A_158, %eq3A_159 : i32
        %jit3A_161 = arith.constant 1 : i32
        %select_n3A_162 = arith.select %eq3A_160, %jit3A_161, %jit3A_158 : i32
        %rem3A_163 = arith.remsi %add3A_124, %select_n3A_162 : i32
        %ne3A_164 = arith.constant 0 : i32
        %ne3A_165 = arith.cmpi ne, %rem3A_163, %ne3A_164 : i32
        %lt3A_166 = arith.constant 0 : i32
        %lt3A_167 = arith.cmpi slt, %rem3A_163, %lt3A_166 : i32
        %lt3A_168 = arith.constant 0 : i32
        %lt3A_169 = arith.cmpi slt, %select_n3A_162, %lt3A_168 : i32
        %ne3A_170 = arith.xori %lt3A_167, %lt3A_169 : i1
        %and3A_171 = arith.andi %ne3A_170, %ne3A_165 : i1
        %add3A_172 = arith.addi %rem3A_163, %select_n3A_162 : i32
        %select_n3A_173 = arith.select %and3A_171, %add3A_172, %rem3A_163 : i32
        %mul3A_174 = arith.constant 128 : i32
        %mul3A_175 = arith.muli %select_n3A_173, %mul3A_174 : i32
        %dma_start3A_176 = arith.constant 0 : i32
        %dma_start3A_177 = arith.constant 0 : i32
        %dma_start3A_178 = tpu.memref_slice %arg6[%rem3A_126, %dma_start3A_176, %dma_start3A_177] : memref<8x128x64xf32, #tpu.memory_space<vmem>> -> memref<1x128x64xf32, #tpu.memory_space<vmem>>
        %dma_start3A_179 = tpu.memref_squeeze %dma_start3A_178 : memref<1x128x64xf32, #tpu.memory_space<vmem>> -> memref<128x64xf32, #tpu.memory_space<vmem>>
        %dma_start3A_180 = tpu.memref_slice %arg5[%select_n3A_157, %mul3A_175] : memref<20x512xi32, #tpu.memory_space<vmem>> -> memref<1x128xi32, #tpu.memory_space<vmem>>
        %dma_start3A_181 = tpu.memref_squeeze %dma_start3A_180 : memref<1x128xi32, #tpu.memory_space<vmem>> -> memref<128xi32, #tpu.memory_space<vmem>>
        %dma_start3A_182 = arith.constant 0 : i32
        %dma_start3A_183 = arith.constant 0 : i32
        %dma_start3A_184 = tpu.memref_slice %arg3[%dma_start3A_182, %dma_start3A_183] : memref<1000001x64xf32, #tpu.memory_space<hbm>> -> memref<1000001x64xf32, #tpu.memory_space<hbm>>
        %dma_start3A_185 = tpu.memref_slice %arg7[%rem3A_126] : memref<8x!tpu.dma_semaphore, #tpu.memory_space<semaphore_mem>> -> memref<1x!tpu.dma_semaphore, #tpu.memory_space<semaphore_mem>>
        %dma_start3A_186 = tpu.memref_squeeze %dma_start3A_185 : memref<1x!tpu.dma_semaphore, #tpu.memory_space<semaphore_mem>> -> memref<!tpu.dma_semaphore, #tpu.memory_space<semaphore_mem>>
        tpu.enqueue_indirect_dma source(%dma_start3A_184 : memref<1000001x64xf32, #tpu.memory_space<hbm>>) target(%dma_start3A_179 : memref<128x64xf32, #tpu.memory_space<vmem>>) offsets(%dma_start3A_181 : memref<128xi32, #tpu.memory_space<vmem>>) semaphore(%dma_start3A_186 : memref<!tpu.dma_semaphore, #tpu.memory_space<semaphore_mem>>)
      } else {
      }
    }
    %scan3A_13 = arith.constant 80 : i32
    %scan3A_14 = arith.constant 0 : i32
    %scan3A_15 = arith.constant 72 : i32
    %scan3A_16 = arith.constant 8 : i32
    %scan3A_17 = arith.addi %scan3A_15, %scan3A_16 : i32
    %scan3A_18 = arith.constant 1 : i32
    scf.for %scan3A_20 = %scan3A_15 to %scan3A_17 step %scan3A_18  : i32 {
      %rem3A = arith.constant 8 : i32
      %rem3A_21 = arith.remsi %scan3A_20, %rem3A : i32
      %jit3A = arith.constant 4 : i32
      %div3A = arith.divsi %scan3A_20, %jit3A : i32
      %sign3A = arith.constant 0 : i32
      %sign3A_22 = arith.cmpi sgt, %scan3A_20, %sign3A : i32
      %sign3A_23 = arith.extui %sign3A_22 : i1 to i32
      %sign3A_24 = arith.constant 0 : i32
      %sign3A_25 = arith.cmpi slt, %scan3A_20, %sign3A_24 : i32
      %sign3A_26 = arith.extui %sign3A_25 : i1 to i32
      %sign3A_27 = arith.subi %sign3A_23, %sign3A_26 : i32
      %sign3A_28 = arith.constant 0 : i32
      %sign3A_29 = arith.cmpi sgt, %jit3A, %sign3A_28 : i32
      %sign3A_30 = arith.extui %sign3A_29 : i1 to i32
      %sign3A_31 = arith.constant 0 : i32
      %sign3A_32 = arith.cmpi slt, %jit3A, %sign3A_31 : i32
      %sign3A_33 = arith.extui %sign3A_32 : i1 to i32
      %sign3A_34 = arith.subi %sign3A_30, %sign3A_33 : i32
      %ne3A = arith.cmpi ne, %sign3A_27, %sign3A_34 : i32
      %rem3A_35 = arith.remsi %scan3A_20, %jit3A : i32
      %ne3A_36 = arith.constant 0 : i32
      %ne3A_37 = arith.cmpi ne, %rem3A_35, %ne3A_36 : i32
      %and3A = arith.andi %ne3A, %ne3A_37 : i1
      %sub3A = arith.constant 1 : i32
      %sub3A_38 = arith.subi %div3A, %sub3A : i32
      %select_n3A = arith.select %and3A, %sub3A_38, %div3A : i32
      %jit3A_39 = arith.constant 4 : i32
      %eq3A = arith.constant 0 : i32
      %eq3A_40 = arith.cmpi eq, %jit3A_39, %eq3A : i32
      %jit3A_41 = arith.constant 1 : i32
      %select_n3A_42 = arith.select %eq3A_40, %jit3A_41, %jit3A_39 : i32
      %rem3A_43 = arith.remsi %scan3A_20, %select_n3A_42 : i32
      %ne3A_44 = arith.constant 0 : i32
      %ne3A_45 = arith.cmpi ne, %rem3A_43, %ne3A_44 : i32
      %lt3A = arith.constant 0 : i32
      %lt3A_46 = arith.cmpi slt, %rem3A_43, %lt3A : i32
      %lt3A_47 = arith.constant 0 : i32
      %lt3A_48 = arith.cmpi slt, %select_n3A_42, %lt3A_47 : i32
      %ne3A_49 = arith.xori %lt3A_46, %lt3A_48 : i1
      %and3A_50 = arith.andi %ne3A_49, %ne3A_45 : i1
      %add3A_51 = arith.addi %rem3A_43, %select_n3A_42 : i32
      %select_n3A_52 = arith.select %and3A_50, %add3A_51, %rem3A_43 : i32
      %mul3A_53 = arith.constant 128 : i32
      %mul3A_54 = arith.muli %select_n3A_52, %mul3A_53 : i32
      %add3A_55 = arith.addi %mul3A_2, %mul3A_54 : i32
      %dma_wait3A = arith.constant 0 : i32
      %dma_wait3A_56 = arith.constant 0 : i32
      %dma_wait3A_57 = tpu.memref_slice %arg6[%rem3A_21, %dma_wait3A, %dma_wait3A_56] : memref<8x128x64xf32, #tpu.memory_space<vmem>> -> memref<1x128x64xf32, #tpu.memory_space<vmem>>
      %dma_wait3A_58 = tpu.memref_squeeze %dma_wait3A_57 : memref<1x128x64xf32, #tpu.memory_space<vmem>> -> memref<128x64xf32, #tpu.memory_space<vmem>>
      %dma_wait3A_59 = arith.constant 0 : i32
      %dma_wait3A_60 = tpu.memref_slice %arg4[%add3A_55, %select_n3A, %dma_wait3A_59] : memref<16384x20x64xf32, #tpu.memory_space<hbm>> -> memref<128x1x64xf32, #tpu.memory_space<hbm>>
      %dma_wait3A_61 = tpu.memref_squeeze %dma_wait3A_60 : memref<128x1x64xf32, #tpu.memory_space<hbm>> -> memref<128x64xf32, #tpu.memory_space<hbm>>
      %dma_wait3A_62 = tpu.memref_slice %arg8[%rem3A_21] : memref<8x!tpu.dma_semaphore, #tpu.memory_space<semaphore_mem>> -> memref<1x!tpu.dma_semaphore, #tpu.memory_space<semaphore_mem>>
      %dma_wait3A_63 = tpu.memref_squeeze %dma_wait3A_62 : memref<1x!tpu.dma_semaphore, #tpu.memory_space<semaphore_mem>> -> memref<!tpu.dma_semaphore, #tpu.memory_space<semaphore_mem>>
      %dma_wait3A_64 = arith.constant 0 : i32
      %dma_wait3A_65 = tpu.memref_slice %arg4[%add3A_55, %select_n3A, %dma_wait3A_64] : memref<16384x20x64xf32, #tpu.memory_space<hbm>> -> memref<128x1x64xf32, #tpu.memory_space<hbm>>
      %dma_wait3A_66 = tpu.memref_squeeze %dma_wait3A_65 : memref<128x1x64xf32, #tpu.memory_space<hbm>> -> memref<128x64xf32, #tpu.memory_space<hbm>>
      %dma_wait3A_67 = arith.constant 0 : i32
      %dma_wait3A_68 = arith.constant 0 : i32
      %dma_wait3A_69 = tpu.memref_slice %arg6[%rem3A_21, %dma_wait3A_67, %dma_wait3A_68] : memref<8x128x64xf32, #tpu.memory_space<vmem>> -> memref<1x128x64xf32, #tpu.memory_space<vmem>>
      %dma_wait3A_70 = tpu.memref_squeeze %dma_wait3A_69 : memref<1x128x64xf32, #tpu.memory_space<vmem>> -> memref<128x64xf32, #tpu.memory_space<vmem>>
      tpu.wait_dma2 semaphore(%dma_wait3A_63 : memref<!tpu.dma_semaphore, #tpu.memory_space<semaphore_mem>>) src(%dma_wait3A_70 : memref<128x64xf32, #tpu.memory_space<vmem>>) dst(%dma_wait3A_66 : memref<128x64xf32, #tpu.memory_space<hbm>>)
    }
    %scan3A_19 = arith.constant 8 : i32
    return
  }
}

</mosaic_0001>

<sc_bundles>
// kernel: kernel.3.cloned.1.call-start
scs
__scs_entry_jumppad:
0x0: {  	(pc) =	sbr.rel $0x88, $3  }
0x1: {  	(tag) =	ssettag $0x0;
	lr =	simm.s32 $0x1  }
0x2: {  	[smem:$0x3F9F] =	sst lr;
	_ =	strace $0xD0000000  }
0x3: {  	_ = 	snop  }
0x4: {  	_ = 	snop  }
0x5: {  	_ = 	snop  }
0x6: {  	_ = 	snop  }
0x7: {  	_ = 	snop  }
__scs_overlays_trampoline_lowered:
0x8: {  	[smem:$0x3FAE] =	sst s0  }
0x9: {  	[smem:$0x3FAF] =	sst s1  }
0xa: {  	[smem:$0x3FB0] =	sst s2  }
0xb: {  	[smem:$0x3FB1] =	sst s3  }
0xc: {  	[smem:$0x3FB2] =	sst s4  }
0xd: {  	[smem:$0x3FB3] =	sst s5  }
0xe: {  	[smem:$0x3FB4] =	sst s6  }
0xf: {  	[smem:$0x3FB5] =	sst s7  }
0x10: {  	[smem:$0x3FB6] =	sst s8  }
0x11: {  	[smem:$0x3FB7] =	sst s9;
	s0 =	simm.s32 @!p0 $0x0  }
0x12: {  	s1 =	sld [smem:$0x3F9D];
	s0 =	simm.s32 @p0 $0x1  }
0x13: {  	[smem:$0x3FB8] =	sst s0;
	s0 =	simm.s32 @!p1 $0x0  }
0x14: {  	s2 =	sld [smem:$0x3F9C];
	s0 =	simm.s32 @p1 $0x1  }
0x15: {  	[smem:$0x3FB9] =	sst s0;
	s0 =	simm.s32 @!p2 $0x0  }
0x16: {  	s3 =	sld [smem:$0x3FDB];
	s0 =	simm.s32 @p2 $0x1  }
0x17: {  	s4 =	simm.s32 $0x1BF5;
	[smem:$0x3FBB] =	sst s0  }
0x18: {  	s0 =	sld [smem:$0x3F9E];
	_ =	swait.ge [sflag:s4], $0x0  }
0x19: {  	s7 =	sld [smem:$0x3F9F]  }
0x1a: {  	s8 =	sadd.s32 $0xFFFFE003, lr  }
0x1b: {  	s9 =	sadd.s32 $0xFFFFFEF7, lr;
	s5 =	simm.s32 $0xFFFFFFFF;
	p2 =	slt.u32 s8, $0xFFFFF086  }
0x1c: {  	p1 =	slt.u32 s9, $0xF7A;
	s5 =	simm.s32 @!p2 $0x0  }
0x1d: {  	s5 =	simm.s32 @p1 $0x1;
	p0 =	seq.s32 s7, s2  }
0x1e: {  	s7 =	smul.u32 @!p0 $0xF7A, s2;
	p2 =	seq.s32 @!p0 s5, $0x0  }
0x1f: {  	s9 =	smul.u32 $0xF7A, s1;
	s8 =	simm.s32 @!p0 $0x1BF5;
	p2 =	por !p2, p0  }
0x20: {  	[sflag:s8] =	ssyncset.s32 @!p0 $0xFFFFF086;
	s6 =	sadd.s32 @!p0 s3, s7;
	s7 =	simm.s32 @!p0 $0x108  }
0x21: {  	s3 =	sadd.s32 s3, s9;
	s6 =	sadd.s32 @!p0 $0x88, s6;
	s7 =	simm.s32 @p2 $0x1082  }
0x22: {  	[simem:s7], [sflag:s8] =	dma.local @!p0 [hbm:s6], $0xF7A  }
0x23: {  	s9 =	sor.u32 $0xD0000000, s2;
	s6 =	simm.s32 $0x108;
	_ =	swait.ge @!p0 [sflag:s8], $0x0  }
0x24: {  	s3 =	sadd.s32 $0x88, s3;
	s6 =	simm.s32 @!p1 $0x1082;
	[sflag:s4] =	ssyncset.s32 $0xFFFFF086  }
0x25: {  	[simem:s6], [sflag:s4] =	dma.local [hbm:s3], $0xF7A  }
0x26: {  	[smem:$0x3F9F] =	sst s1;
	(tag) =	ssettag s2;
	_ =	strace s9  }
0x27: {  	s1 =	sld [smem:$0x3FAF]  }
0x28: {  	s2 =	sld [smem:$0x3FB0]  }
0x29: {  	s4 =	sld [smem:$0x3FB2]  }
0x2a: {  	p0 =	seq.s32 s5, $0x0;
	s5 =	sld [smem:$0x3FB3]  }
0x2b: {  	s6 =	sld [smem:$0x3FB4]  }
0x2c: {  	s7 =	sld [smem:$0x3FB5]  }
0x2d: {  	s3 =	simm.s32 $0x108;
	s8 =	sld [smem:$0x3FB6]  }
0x2e: {  	s3 =	simm.s32 @!p0 $0x1082;
	s9 =	sld [smem:$0x3FB7]  }
0x2f: {  	lr =	sadd.s32 s0, s3;
	s0 =	sld [smem:$0x3FAE]  }
0x30: {  	s3 =	sld [smem:$0x3FB1]  }
0x31: {  	[smem:$0x3FBA] =	sst s10  }
0x32: {  	s10 =	sld [smem:$0x3FB8];
	_ =	sdelay $0x3  }
0x33: {  	p0 =	seq.s32 s10, $0x1;
	s10 =	sld [smem:$0x3FBA];
	_ =	sdelay $0x3  }
0x34: {  	[smem:$0x3FBA] =	sst s10  }
0x35: {  	s10 =	sld [smem:$0x3FB9];
	_ =	sdelay $0x3  }
0x36: {  	p1 =	seq.s32 s10, $0x1;
	s10 =	sld [smem:$0x3FBA];
	_ =	sdelay $0x3  }
0x37: {  	[smem:$0x3FBA] =	sst s10  }
0x38: {  	s10 =	sld [smem:$0x3FBB]  }
0x39: {  	_ = 	snop;
	(pc) =	sbr.ind lr, $3  }
0x3a: {  	_ = 	snop  }
0x3b: {  	_ = 	snop  }
0x3c: {  	p2 =	seq.s32 s10, $0x1;
	s10 =	sld [smem:$0x3FBA]  }
0x3d: {  	_ =	shalt  }
0x3e: {  	_ =	shalt  }
0x3f: {  	_ =	shalt  }
0x40: {  	_ =	shalt  }
0x41: {  	_ =	shalt  }
0x42: {  	_ =	shalt  }
0x43: {  	_ =	shalt  }
0x44: {  	_ =	shalt  }
0x45: {  	_ =	shalt  }
0x46: {  	_ =	shalt  }
0x47: {  	_ =	shalt  }
0x48: {  	_ =	shalt  }
0x49: {  	_ =	shalt  }
0x4a: {  	_ =	shalt  }
0x4b: {  	_ =	shalt  }
0x4c: {  	_ =	shalt  }
0x4d: {  	_ =	shalt  }
0x4e: {  	_ =	shalt  }
0x4f: {  	_ =	shalt  }
0x50: {  	_ =	shalt  }
0x51: {  	_ =	shalt  }
0x52: {  	_ =	shalt  }
0x53: {  	_ =	shalt  }
0x54: {  	_ =	shalt  }
0x55: {  	_ =	shalt  }
0x56: {  	_ =	shalt  }
0x57: {  	_ =	shalt  }
0x58: {  	_ =	shalt  }
0x59: {  	_ =	shalt  }
0x5a: {  	_ =	shalt  }
0x5b: {  	_ =	shalt  }
0x5c: {  	_ =	shalt  }
0x5d: {  	_ =	shalt  }
0x5e: {  	_ =	shalt  }
0x5f: {  	_ =	shalt  }
0x60: {  	_ =	shalt  }
0x61: {  	_ =	shalt  }
0x62: {  	_ =	shalt  }
0x63: {  	_ =	shalt  }
0x64: {  	_ =	shalt  }
0x65: {  	_ =	shalt  }
0x66: {  	_ =	shalt  }
0x67: {  	_ =	shalt  }
0x68: {  	_ =	shalt  }
0x69: {  	_ =	shalt  }
0x6a: {  	_ =	shalt  }
0x6b: {  	_ =	shalt  }
0x6c: {  	_ =	shalt  }
0x6d: {  	_ =	shalt  }
0x6e: {  	_ =	shalt  }
0x6f: {  	_ =	shalt  }
0x70: {  	_ =	shalt  }
0x71: {  	_ =	shalt  }
0x72: {  	_ =	shalt  }
0x73: {  	_ =	shalt  }
0x74: {  	_ =	shalt  }
0x75: {  	_ =	shalt  }
0x76: {  	_ =	shalt  }
0x77: {  	_ =	shalt  }
0x78: {  	_ =	shalt  }
0x79: {  	_ =	shalt  }
0x7a: {  	_ =	shalt  }
0x7b: {  	_ =	shalt  }
0x7c: {  	_ =	shalt  }
0x7d: {  	_ =	shalt  }
0x7e: {  	_ =	shalt  }
0x7f: {  	_ =	shalt  }
0x80: {  	_ =	shalt  }
0x81: {  	_ =	shalt  }
0x82: {  	_ =	shalt  }
0x83: {  	_ =	shalt  }
0x84: {  	_ =	shalt  }
0x85: {  	_ =	shalt  }
0x86: {  	_ =	shalt  }
0x87: {  	_ =	shalt  }
.Lfunc_end0:
.L_simem_size_0:
called_computation.1_lowered:
.L_overlay_start_0:
0x88: {  	s2 =	sld [smem:$0x3FD9]  }
0x89: {  	s3 =	sld [smem:$0x3FFE];
	_ =	sdelay $0x1  }
0x8a: {  	s1 =	srdreg.scid  }
0x8b: {  	s0 =	sand.u32 $0x1, s1  }
0x8c: {  	s17 =	sshll.u32 s0, $0xA;
	s2 =	sadd.s32 s3, s2  }
0x8d: {  	s2 =	sadd.s32 s2, s17  }
0x8e: {  	[smem:$0x3FC6] =	sst s2  }
0x8f: {  	_ = 	snop  }
0x90: {  	s2 =	sld [smem:$0x3FD0];
	(tm) =	ssettm $0x1  }
0x91: {  	s18 =	sld [smem:$0x3FFB];
	_ =	sdelay $0x3  }
0x92: {  	_ =	strace s18  }
0x93: {  	s3 =	sld [smem:$0x3FFC];
	_ =	sdelay $0x3  }
0x94: {  	_ =	strace s3  }
0x95: {  	s3 =	sld [smem:$0x3FFD];
	_ =	sdelay $0x3  }
0x96: {  	_ =	strace s3  }
0x97: {  	_ =	strace $0x8FFFFFFF  }
0x98: {  	s19 =	sld [smem:$0x3FDB];
	_ =	sdelay $0x1  }
0x99: {  	s4 =	simm.s32 $_scs_section_size  }
0x9a: {  	s5 =	simm.s32 $_size__tile_overlayer_lowered;
	s6 =	simm.s32 $_tile_overlayer_lowered  }
0x9b: {  	s22 =	simm.s32 $0x1BFF;
	s21 =	sshll.u32 s6, $0x1;
	s3 =	sadd.s32 s4, s19  }
0x9c: {  	s7 =	simm.s32 $0x0;
	s20 =	sshll.u32 s5, $0x1;
	s5 =	sadd.s32 s21, s3  }
0x9d: {  	[timem:s7], [sflag:s22] =	dma.local [hbm:s5], s20  }
0x9e: {  	_ =	swait.ge [sflag:s22], s20  }
0x9f: {  	s4 =	ssub.s32 $0x0, s20;
	[sflag:s22] =	ssyncset.done $0x0  }
0xa0: {  	[sflag:s22] =	ssyncadd.s32 s4;
	_ =	sdelay $0x1  }
0xa1: {  	s23 =	simm.s32 $0x1B8B  }
0xa2: {  	_ =	swait.ge [sflag:s23], $0x1  }
0xa3: {  	[sflag:s23] =	ssyncset.done $0x0  }
0xa4: {  	s25 =	simm.s32 $0x1B8E;
	s24 =	sld [smem:$0x3FFE];
	[sflag:s23] =	ssyncadd.s32 $0xFFFFFFFF  }
0xa5: {  	s26 =	simm.s32 $execute0_lowered;
	[smem:$0x3FD2] =	sst s25  }
0xa6: {  	s5 =	sshll.u32 s26, $0x1;
	_ =	strace $0x80000046;
	[dreg:$0x1] =	wrdreg $0xFFFFFFFF  }
0xa7: {  	s28 =	simm.s32 $_size_execute0_lowered;
	s3 =	sadd.s32 s3, s5;
	[dreg:$0x0] =	wrdreg $0x0  }
0xa8: {  	s5 =	sshll.u32 s28, $0x1;
	[dreg:$0x2] =	wrdreg s3  }
0xa9: {  	[dreg:$0x3] =	wrdreg s5  }
0xaa: {  	[dreg:$0x4] =	wrdreg $0xC0  }
0xab: {  	_ =	task [dreg:s7], $0x5FFFF  }
0xac: {  	[dreg:$0x1] =	wrdreg $0xFFFFFFFF  }
0xad: {  	[dreg:$0x0] =	wrdreg $0x60  }
0xae: {  	[dreg:$0x2] =	wrdreg s24  }
0xaf: {  	[dreg:$0x3] =	wrdreg s2  }
0xb0: {  	[dreg:$0x4] =	wrdreg $0x9  }
0xb1: {  	_ =	task.clear_ibuf [dreg:s7], $0x5FFFF;
	_ =	strace $0x90000046  }
0xb2: {  	s29 =	simm.s32 $0x9;
	_ =	strace $0x80000048  }
0xb3: {  	_ =	swait.ge [sflag:s29], $0x1  }
0xb4: {  	[sflag:s29] =	ssyncadd.s32 $0xFFFFFFFF  }
0xb5: {  	_ =	strace $0x90000048  }
0xb6: {  	_ =	sfence  }
0xb7: {  	s30 =	sld [smem:$0x0];
	_ =	sdelay $0x2  }
0xb8: {  	s31 =	sshll.u32 s1, $0xD;
	s1 =	sshrl.u32 s1, $0x2  }
0xb9: {  	s3 =	sand.u32 $0x4000, s31;
	s1 =	sadd.s32 s1, s30  }
0xba: {  	s0 =	sor.u32 s3, s0;
	s1 =	sshll.u32 s1, $0x11  }
0xbb: {  	s0 =	sor.u32 s1, s0  }
0xbc: {  	s0 =	sadd.s32 $0x8F2B, s0  }
0xbd: {  	[sflag:s0] =	ssyncadd.remote.s32 $0x1  }
0xbe: {  	_ =	sfence.sel $0xFFFF  }
0xbf: {  	[dreg:$0x0] =	wrdreg $0xFFFFFFFF;
	(pc) =	sbr.abs _section_cstart, $3  }
0xc0: {  	[dreg:$0x1] =	wrdreg $0xFFFFFFFF  }
0xc1: {  	_ =	task.clear_ibuf [dreg:s7], $0x2FFFF;
	_ =	strace $0x9FFFFFFF  }
0xc2: {  	(tm) =	ssettm $0x7FFFFFFF  }
0xc3: {  	_ =	shalt  }
tec
execute0_lowered:
.L_overlay_start_1:
0x0: {  	(tag) =	ssettag $0x1  }
0x1: {  	s0 =	rddreg [dreg:$0x0]  }
0x2: {  	s1 =	srdreg.scid;
	s2 =	rddreg [dreg:$0x1]  }
0x3: {  	s3 =	stileid.u32;
	s10 =	simm.s32 $0x11;
	s11 =	simm.s32 $0x80  }
0x4: {  	s18 =	simm.s32 $0x40;
	s19 =	simm.s32 $0x500;
	s20 =	simm.s32 $0x9  }
0x5: {  	s21 =	simm.s32 $0xA;
	s22 =	simm.s32 $0xB;
	s23 =	simm.s32 $0xC  }
0x6: {  	s24 =	simm.s32 $0xD;
	s25 =	simm.s32 $0xE;
	s1 =	sand.u32 $0x1, s1  }
0x7: {  	s26 =	simm.s32 $0xF;
	s4 =	sshll.u32 s3, $0xA;
	s5 =	sshll.u32 s1, $0x9  }
0x8: {  	s28 =	simm.s32 $0x10;
	s29 =	simm.s32 $0x0;
	s4 =	sor.u32 s5, s4  }
0x9: {  	s3 =	simm.s32 $0x0;
	s1 =	ssub.s32 $0x2, s1;
	s5 =	sshrl.u32 s4, $0x3  }
0xa: {  	[smem:$0x7FF] =	sst s3;
	s6 =	sshrl.u32 s1, $0x1;
	s7 =	sadd.s32 s5, s0  }
0xb: {  	_ =	strace $0x80000047;
	s1 =	ssub.s32 s1, s6;
	s31 =	sadd.s32 $0xA00, s7  }
0xc: {  	s5 =	sadd.s32 $0xF43000, s0;
	s7 =	smax.u32 s1, $0x1;
	[dreg:$0x3] =	wrdreg s31  }
.LBB2_1:
0xd: {  	s0 =	rddreg [dreg:$0x3];
	s1 =	simm.s32 $0x200;
	s6 =	simm.s32 $0x4000  }
0xe: {  	[tilespmem:s3], [sflag:$0x11] =	stream.strided.gather [hbm4b:s0+s1], $0x2800, s6, s1, $0x38;
	[tilespmem:$0x12800] =	vst v63  }
0xf: {  	_ =	swait.ge [sflag:s10], $0x2800  }
0x10: {  	s8 =	simm.s32 $0x100;
	[sflag:s10] =	ssyncset.done $0x0  }
0x11: {  	s9 =	simm.s32 $0x6800;
	s1 =	simm.s32 $0x2800;
	[sflag:s10] =	ssyncadd.s32 $0xFFFFD800  }
0x12: {  	[tilespmem:s1], [sflag:$0x1] =	stream.indirect.gather [hbm4b:s5+s11], $0x40, s3, s11, $0xb8;
	[tilespmem:$0x12800] =	vst v63  }
0x13: {  	s12 =	simm.s32 $0x180;
	s13 =	simm.s32 $0x8800;
	s6 =	simm.s32 $0x4800  }
0x14: {  	[tilespmem:s6], [sflag:$0x2] =	stream.indirect.gather [hbm4b:s5+s11], $0x40, s11, s11, $0xb8;
	[tilespmem:$0x12800] =	vst v63  }
0x15: {  	s30 =	simm.s32 $0x1;
	s31 =	simm.s32 $0x10;
	p0 =	por $0x0, $0x0  }
0x16: {  	[tilespmem:s9], [sflag:$0x3] =	stream.indirect.gather [hbm4b:s5+s11], $0x40, s8, s11, $0xb8;
	[tilespmem:$0x12800] =	vst v63  }
0x17: {  	s17 =	simm.s32 $0x4;
	p1 =	por @!p0 $0x1, $0x1;
	s9 =	sand.u32 $0x180, s3  }
0x18: {  	s0 =	simm.s32 $0xA00;
	p2 =	por p1, p0;
	s14 =	sor.u32 s4, s9  }
0x19: {  	[tilespmem:s13], [sflag:$0x4] =	stream.indirect.gather [hbm4b:s5+s11], $0x40, s12, s11, $0xb8;
	[tilespmem:$0x12800] =	vst v63  }
0x1a: {  	s8 =	simm.s32 $0x800;
	s12 =	sand.u32 $0x7, s3;
	s15 =	smul.u32 $0x500, s14  }
0x1b: {  	s14 =	sand.u32 $0x7C0, s3;
	s13 =	sadd.s32 $0x1, s12;
	s16 =	sadd.s32 $0x9, s12  }
0x1c: {  	s12 =	sshll.u32 s12, $0xD;
	_ =	swait.ge [sflag:s13], $0x2000;
	s14 =	sor.u32 s14, s15  }
0x1d: {  	s12 =	sadd.s32 $0x2800, s12;
	[sflag:s13] =	ssyncset.done $0x0;
	s14 =	sshrl.u32 s14, $0x3  }
0x1e: {  	[sflag:s13] =	ssyncadd.s32 $0xFFFFE000;
	s14 =	sadd.s32 s2, s14;
	s13 =	sand.u32 @!p0 $0x1F800, s8  }
0x1f: {  	[hbm4b:s14+s18] =	stream.strided.scatter [tilespmem:s12], [sflag:s16], $0x2000, s19, s18, $0x38;
	[tilespmem:$0x12800] =	vst v63  }
0x20: {  	s1 =	simm.s32 $0x80;
	s8 =	sand.u32 $0x7, s17;
	s13 =	sshrl.u32 @!p0 s13, $0x2  }
0x21: {  	s12 =	sadd.s32 @!p2 $0x9, s8;
	s14 =	sshll.u32 @!p0 s8, $0xD;
	s13 =	sor.u32 @!p0 s9, s13  }
0x22: {  	s9 =	simm.s32 @!p0 $0x80;
	_ =	swait.ge @!p2 [sflag:s12], $0x2000;
	s14 =	sadd.s32 @!p0 $0x2800, s14  }
.LBB2_2:
0x23: {  	[sflag:s12] =	ssyncset.done @!p2 $0x0;
	s8 =	sadd.s32 @!p0 $0x1, s8;
	s15 =	smov.u32 s30  }
0x24: {  	s30 =	sadd.s32 $0x1, s30;
	s16 =	smov.u32 s31;
	s17 =	smov.u32 s0  }
0x25: {  	p1 =	sne.s32 s30, $0x50;
	[sflag:s12] =	ssyncadd.s32 @!p2 $0xFFFFE000  }
0x26: {  	[tilespmem:s14], [sflag:s8] =	stream.indirect.gather @!p0 [hbm4b:s5+s9], $0x40, s13, s9, $0xb8;
	[tilespmem:$0x12800] =	vst v63  }
0x27: {  	_ = 	snop  }
0x28: {  	s31 =	sadd.s32 $0x10, s31;
	s0 =	sadd.s32 $0x200, s0  }
0x29: {  	s12 =	sadd.s32 $0x4, s15;
	s13 =	sand.u32 $0x180, s1;
	s1 =	sadd.s32 $0x80, s1  }
0x2a: {  	s9 =	sand.u32 $0x7C0, s16;
	s14 =	sand.u32 $0x7, s15;
	s8 =	sor.u32 s4, s13  }
0x2b: {  	p0 =	sgt.u32 s15, $0x4B;
	s16 =	smul.u32 $0x500, s8;
	s8 =	sand.u32 $0x7, s12  }
0x2c: {  	s6 =	sadd.s32 $0x9, s14;
	s12 =	sadd.s32 $0x1, s14;
	s14 =	sshll.u32 s14, $0xD  }
0x2d: {  	p2 =	slt.u32 @!p0 s15, $0x4;
	s9 =	sor.u32 s9, s16;
	_ =	swait.ge [sflag:s12], $0x2000  }
0x2e: {  	s14 =	sadd.s32 $0x2800, s14;
	s16 =	sshrl.u32 s9, $0x3;
	s9 =	simm.s32 @!p0 $0x80  }
.Ltmp0:
0x2f: {  	s15 =	sadd.s32 s2, s16;
	[sflag:s12] =	ssyncset.done $0x0;
	(pc) =	sbr.rel @p1 .LBB2_2-.Ltmp0, $4  }
0x30: {  	p2 =	por p2, p0;
	s16 =	sand.u32 @!p0 $0x1F800, s17;
	[sflag:s12] =	ssyncadd.s32 $0xFFFFE000  }
0x31: {  	[hbm4b:s15+s18] =	stream.strided.scatter [tilespmem:s14], [sflag:s6], $0x2000, s19, s18, $0x38;
	[tilespmem:$0x12800] =	vst v63  }
0x32: {  	s12 =	sadd.s32 @!p2 $0x9, s8;
	s6 =	sshll.u32 @!p0 s8, $0xD;
	s15 =	sshrl.u32 @!p0 s16, $0x2  }
0x33: {  	s14 =	sadd.s32 @!p0 $0x2800, s6;
	s13 =	sor.u32 @!p0 s13, s15;
	_ =	swait.ge @!p2 [sflag:s12], $0x2000  }
0x34: {  	[sflag:s12] =	ssyncset.done @!p2 $0x0  }
0x35: {  	s0 =	sadd.s32 @!p0 $0x1, s8;
	[sflag:s12] =	ssyncadd.s32 @!p2 $0xFFFFE000  }
0x36: {  	[tilespmem:s14], [sflag:s0] =	stream.indirect.gather @!p0 [hbm4b:s5+s9], $0x40, s13, s9, $0xb8;
	[tilespmem:$0x12800] =	vst v63  }
0x37: {  	_ =	swait.ge [sflag:s20], $0x2000  }
0x38: {  	[sflag:s20] =	ssyncset.done $0x0  }
0x39: {  	[sflag:s20] =	ssyncadd.s32 $0xFFFFE000  }
0x3a: {  	_ =	swait.ge [sflag:s21], $0x2000  }
0x3b: {  	[sflag:s21] =	ssyncset.done $0x0  }
0x3c: {  	[sflag:s21] =	ssyncadd.s32 $0xFFFFE000  }
0x3d: {  	_ =	swait.ge [sflag:s22], $0x2000  }
0x3e: {  	[sflag:s22] =	ssyncset.done $0x0  }
0x3f: {  	[sflag:s22] =	ssyncadd.s32 $0xFFFFE000  }
0x40: {  	_ =	swait.ge [sflag:s23], $0x2000  }
0x41: {  	[sflag:s23] =	ssyncset.done $0x0  }
0x42: {  	[sflag:s23] =	ssyncadd.s32 $0xFFFFE000  }
0x43: {  	_ =	swait.ge [sflag:s24], $0x2000  }
0x44: {  	[sflag:s24] =	ssyncset.done $0x0  }
0x45: {  	[sflag:s24] =	ssyncadd.s32 $0xFFFFE000  }
0x46: {  	_ =	swait.ge [sflag:s25], $0x2000  }
0x47: {  	[sflag:s25] =	ssyncset.done $0x0  }
0x48: {  	s29 =	sadd.s32 $0x1, s29;
	[sflag:s25] =	ssyncadd.s32 $0xFFFFE000  }
0x49: {  	p0 =	sne.s32 s29, s7;
	_ =	swait.ge [sflag:s26], $0x2000  }
.Ltmp1:
0x4a: {  	[sflag:s26] =	ssyncset.done $0x0;
	(pc) =	sbr.rel @p0 .LBB2_1-.Ltmp1, $4  }
0x4b: {  	[sflag:s26] =	ssyncadd.s32 $0xFFFFE000  }
0x4c: {  	_ =	swait.ge [sflag:s28], $0x2000  }
0x4d: {  	[sflag:s28] =	ssyncset.done $0x0  }
0x4e: {  	[sflag:s28] =	ssyncadd.s32 $0xFFFFE000  }
0x4f: {  	_ =	sfence.sel $0x180000  }
0x50: {  	[bflag:$0x0] =	sbarrier.arrive $0xFFFF  }
0x51: {  	_ =	strace $0x90000047  }
0x52: {  	s0 =	stileid.u32;
	[bflag:$0x2] =	sbarrier.arrive $0xFFFF  }
0x53: {  	p0 =	sne.s32 s0, $0x0;
	s0 =	rddreg [dreg:$0x2]  }
0x54: {  	s0 =	sadd.s32 @!p0 $0x100000, s0  }
0x55: {  	[sflag:s0] =	ssyncadd.tile.s32 @!p0 $0x1;
	_ =	shalt  }
.Lfunc_end2:
_tile_overlayer_lowered:
.L_overlay_start_2:
0x56: {  	(tag) =	ssettag $0x2  }
0x57: {  	s0 =	rddreg [dreg:$0x0];
	s2 =	stileid.u32  }
0x58: {  	s1 =	rddreg [dreg:$0x1];
	p0 =	sne.s32 s2, $0x0  }
0x59: {  	s3 =	rddreg [dreg:$0x2];
	[bflag:$0x3] =	sbarrier.arrive $0xFFFF;
	s2 =	simm.s32 @!p0 $0x1C11  }
0x5a: {  	[timem:s3], [sflag:s2] =	dma.local @!p0 [hbm:s0], s1  }
0x5b: {  	s0 =	simm.s32 @!p0 $0x11  }
0x5c: {  	_ =	swait.ge @!p0 [sflag:s0], s1  }
0x5d: {  	s1 =	ssub.s32 @!p0 $0x0, s1;
	[sflag:s0] =	ssyncset.done @!p0 $0x0  }
0x5e: {  	[sflag:s0] =	ssyncadd.s32 @!p0 s1  }
0x5f: {  	[bflag:$0x3] =	sbarrier.arrive $0xFFFF  }
0x60: {  	_ =	shalt  }

// kernel: sparse-core-data-format-call.cloned.1.call-start
scs
called_computation_lowered:
.L_overlay_start_0:
0x0: {  	s2 =	sld [smem:$0x3FD9]  }
0x1: {  	s3 =	sld [smem:$0x3FFE];
	_ =	sdelay $0x1  }
0x2: {  	s1 =	srdreg.scid  }
0x3: {  	s0 =	sand.u32 $0x1, s1  }
0x4: {  	s18 =	sshll.u32 s0, $0xA;
	s2 =	sadd.s32 s3, s2  }
0x5: {  	s2 =	sadd.s32 s2, s18  }
0x6: {  	[smem:$0x3FC6] =	sst s2  }
0x7: {  	_ = 	snop  }
0x8: {  	s2 =	sld [smem:$0x3FD0];
	(tm) =	ssettm $0x1  }
0x9: {  	s19 =	sld [smem:$0x3FFB];
	_ =	sdelay $0x3  }
0xa: {  	_ =	strace s19  }
0xb: {  	s3 =	sld [smem:$0x3FFC];
	_ =	sdelay $0x3  }
0xc: {  	_ =	strace s3  }
0xd: {  	s3 =	sld [smem:$0x3FFD];
	_ =	sdelay $0x3  }
0xe: {  	_ =	strace s3  }
0xf: {  	_ =	strace $0x8FFFFFFF  }
0x10: {  	s20 =	sld [smem:$0x3FDB];
	_ =	sdelay $0x1  }
0x11: {  	s4 =	simm.s32 $_scs_section_size  }
0x12: {  	s5 =	simm.s32 $_size__tile_overlayer_lowered;
	s6 =	simm.s32 $_tile_overlayer_lowered  }
0x13: {  	s23 =	simm.s32 $0x1BFF;
	s22 =	sshll.u32 s6, $0x1;
	s3 =	sadd.s32 s4, s20  }
0x14: {  	s7 =	simm.s32 $0x0;
	s21 =	sshll.u32 s5, $0x1;
	s5 =	sadd.s32 s22, s3  }
0x15: {  	[timem:s7], [sflag:s23] =	dma.local [hbm:s5], s21  }
0x16: {  	_ =	swait.ge [sflag:s23], s21  }
0x17: {  	s4 =	ssub.s32 $0x0, s21;
	[sflag:s23] =	ssyncset.done $0x0  }
0x18: {  	[sflag:s23] =	ssyncadd.s32 s4;
	_ =	sdelay $0x1  }
0x19: {  	s24 =	simm.s32 $0x1B8B  }
0x1a: {  	_ =	swait.ge [sflag:s24], $0x1  }
0x1b: {  	[sflag:s24] =	ssyncset.done $0x0  }
0x1c: {  	s26 =	simm.s32 $0x1B8E;
	s25 =	sld [smem:$0x3FFE];
	[sflag:s24] =	ssyncadd.s32 $0xFFFFFFFF  }
0x1d: {  	s27 =	simm.s32 $execute0_lowered;
	[smem:$0x3FD2] =	sst s26  }
0x1e: {  	s5 =	sshll.u32 s27, $0x1;
	_ =	strace $0x80000049;
	[dreg:$0x1] =	wrdreg $0xFFFFFFFF  }
0x1f: {  	s28 =	simm.s32 $_size_execute0_lowered;
	s3 =	sadd.s32 s3, s5;
	[dreg:$0x0] =	wrdreg $0x0  }
0x20: {  	s5 =	sshll.u32 s28, $0x1;
	[dreg:$0x2] =	wrdreg s3  }
0x21: {  	[dreg:$0x3] =	wrdreg s5  }
0x22: {  	[dreg:$0x4] =	wrdreg $0xC0  }
0x23: {  	_ =	task [dreg:s7], $0x5FFFF  }
0x24: {  	[dreg:$0x1] =	wrdreg $0xFFFFFFFF  }
0x25: {  	[dreg:$0x0] =	wrdreg $0x60  }
0x26: {  	[dreg:$0x2] =	wrdreg s25  }
0x27: {  	[dreg:$0x3] =	wrdreg s2  }
0x28: {  	[dreg:$0x4] =	wrdreg $0x9  }
0x29: {  	_ =	task.clear_ibuf [dreg:s7], $0x5FFFF;
	_ =	strace $0x90000049  }
0x2a: {  	s29 =	simm.s32 $0x9;
	_ =	strace $0x8000004B  }
0x2b: {  	_ =	swait.ge [sflag:s29], $0x1  }
0x2c: {  	[sflag:s29] =	ssyncadd.s32 $0xFFFFFFFF  }
0x2d: {  	_ =	strace $0x9000004B  }
0x2e: {  	_ =	sfence  }
0x2f: {  	s30 =	sld [smem:$0x0];
	_ =	sdelay $0x2  }
0x30: {  	s31 =	sshll.u32 s1, $0xD;
	s1 =	sshrl.u32 s1, $0x2  }
0x31: {  	s3 =	sand.u32 $0x4000, s31;
	s1 =	sadd.s32 s1, s30  }
0x32: {  	s0 =	sor.u32 s3, s0;
	s1 =	sshll.u32 s1, $0x11  }
0x33: {  	s0 =	sor.u32 s1, s0  }
0x34: {  	s0 =	sadd.s32 $0x8F2B, s0  }
0x35: {  	[sflag:s0] =	ssyncadd.remote.s32 $0x1  }
0x36: {  	_ =	sfence.sel $0xFFFF  }
0x37: {  	[dreg:$0x0] =	wrdreg $0xFFFFFFFF;
	(pc) =	sbr.abs _section_cstart, $3  }
0x38: {  	[dreg:$0x1] =	wrdreg $0xFFFFFFFF  }
0x39: {  	_ =	task.clear_ibuf [dreg:s7], $0x2FFFF;
	_ =	strace $0x9FFFFFFF  }
0x3a: {  	(tm) =	ssettm $0x7FFFFFFF  }
0x3b: {  	_ =	shalt  }
tec
execute0_lowered:
.L_overlay_start_1:
0x0: {  	(tag) =	ssettag $0x1  }
0x1: {  	s0 =	srdreg.scid  }
0x2: {  	s1 =	sshll.u32 s0, $0x4  }
0x3: {  	s0 =	stileid.u32;
	s1 =	sand.u32 $0x10, s1  }
0x4: {  	s1 =	sor.u32 s0, s1  }
0x5: {  	s6 =	rddreg [dreg:$0x0];
	s4 =	simm.s32 $0x1;
	s2 =	sshll.u32 s1, $0x7  }
0x6: {  	s7 =	simm.s32 $0x2;
	s12 =	simm.s32 $0x0;
	s1 =	ssub.s32 $0x4000, s2  }
0x7: {  	s8 =	simm.s32 $0x20000;
	s13 =	simm.s32 $0x0;
	s3 =	sand.u32 $0xF80, s1  }
0x8: {  	s9 =	simm.s32 $0x0;
	s5 =	sshrl.u32 s1, $0xC;
	p0 =	sne.s32 s3, $0x0  }
.Ltmp0:
0x9: {  	s1 =	rddreg [dreg:$0x2];
	s4 =	simm.s32 @!p0 $0x0;
	(pc) =	sbr.rel .LBB1_1-.Ltmp0, $4  }
0xa: {  	s11 =	simm.s32 $0x0;
	s3 =	rddreg [dreg:$0x1];
	s5 =	sadd.s32 s4, s5  }
0xb: {  	_ =	strace $0x8000004A;
	s4 =	simm.s32 $0x1;
	s5 =	smul.u32 $0x14, s5  }
0xc: {  	s6 =	sadd.s32 $0xA00, s6;
	s10 =	smov.u32 s2;
	[sflag:s4] =	ssyncpa.u1 $0x0  }
0xd: {  	p0 =	por $0x0, $0x0;
	[sflag:s7] =	ssyncpa.u1 $0x0;
	s7 =	sor.u32 $0x1, s5  }
.LBB1_4:
0xe: {  	s16 =	sshll.u32 s13, $0x3;
	s17 =	sand.u32 $0x78, s13  }
0xf: {  	s30 =	sand.u32 $0x1F800, s13;
	s12 =	sshll.u32 s12, $0x11;
	s16 =	sand.u32 $0x3C00, s16  }
0x10: {  	[tilespmem:s15+$0x810 ss:$0x81] =	vst.msk $0xffff, v2;
	s31 =	sand.u32 $0x7, s13;
	s16 =	sor.u32 s17, s16;
	s17 =	sadd.s32 s3, s30  }
0x11: {  	[tilespmem:s15+$0x1020 ss:$0x81] =	vst.msk $0xffff, v0;
	s13 =	sshll.u32 s31, $0x12;
	s12 =	sadd.s32 s12, s17;
	s16 =	sshrl.u32 s16, $0x3  }
0x12: {  	[tilespmem:s15+$0x0 ss:$0x81] =	vst.msk $0xffff, v1;
	s13 =	sor.u32 $0x400, s13;
	s12 =	sadd.s32 s16, s12  }
0x13: {  	[hbm4b:s12+s13] =	stream.strided.scatter [tilespmem:s14], [sflag:$0x2], $0x2000, s8, s13, $0x20;
	[tilespmem:$0x8080] =	vst v63  }
.LBB1_5:
0x14: {  	s14 =	sadd.s32 $0x1, s9  }
0x15: {  	s12 =	sadd.s32 $0x1000, s10;
	s16 =	smov.u32 s10;
	p2 =	sgt.s32 s14, $0x13  }
0x16: {  	s16 =	smov.u32 @p2 s12  }
0x17: {  	s14 =	simm.s32 @p2 $0x0;
	p2 =	sgt.s32 s16, $0x3FFF  }
0x18: {  	s16 =	smov.u32 @p2 s2;
	p2 =	sne.s32 s11, s7  }
.Ltmp1:
0x19: {  	p1 =	slt.u32 s11, $0x2;
	(pc) =	sbr.rel @!p2 .LBB1_6-.Ltmp1, $4  }
0x1a: {  	s15 =	simm.s32 @!p1 $0x2  }
0x1b: {  	s13 =	smov.u32 s10;
	p0 =	por !p0, !p0;
	_ =	swait.ge @!p1 [sflag:s15], $0x2000  }
0x1c: {  	s12 =	smov.u32 s9;
	[sflag:s15] =	ssyncset.done @!p1 $0x0;
	s9 =	smov.u32 s14  }
0x1d: {  	s11 =	sadd.s32 $0x1, s11;
	[sflag:s15] =	ssyncadd.s32 @!p1 $0xFFFFE000;
	s10 =	smov.u32 s16  }
.LBB1_1:
0x1e: {  	p1 =	sge.u32 s11, s5  }
0x1f: {  	s14 =	sand.u32 @!p1 $0x1FFFFFF, s9  }
0x20: {  	s15 =	smulhi.u32 @!p1 $0xAAAAAAB, s14;
	_ =	sdelay $0x1  }
0x21: {  	s15 =	smul.u32 @!p1 $0x18, s15  }
0x22: {  	s16 =	sxor.u32 @!p1 $0xFFFFFFFF, s11;
	s17 =	smul.u32 @!p1 $0x180, s10  }
0x23: {  	s31 =	sadd.s32 $0xFFFFFFFF, s11;
	s16 =	sshll.u32 @!p1 s16, $0xD;
	s14 =	ssub.s32 @!p1 s14, s15  }
0x24: {  	s15 =	sand.u32 @!p1 $0x2000, s16;
	s16 =	sadd.s32 @!p1 s6, s17;
	s14 =	sshll.u32 @!p1 s14, $0x4  }
0x25: {  	s17 =	simm.s32 @!p1 $0xC00;
	s14 =	sadd.s32 @!p1 s14, s16;
	s16 =	simm.s32 @!p1 $0x40  }
0x26: {  	[tilespmem:s15], [sflag:$0x1] =	stream.strided.gather @!p1 [hbm4b:s14+s16], $0x2000, s17, s16, $0x38;
	[tilespmem:$0x8080] =	vst v63  }
0x27: {  	p1 =	sge.u32 s31, s5  }
.Ltmp2:
0x28: {  	_ = 	snop;
	(pc) =	sbr.rel @p1 .LBB1_5-.Ltmp2, $1  }
0x29: {  	_ =	sdelay $0x3  }
0x2a: {  	s14 =	simm.s32 $0x1  }
0x2b: {  	_ =	swait.ge [sflag:s4], $0x2000;
	s14 =	simm.s32 @!p0 $0x0  }
0x2c: {  	[sflag:s4] =	ssyncset.done $0x0;
	s15 =	sshll.u32 s14, $0xD  }
0x2d: {  	[sflag:s4] =	ssyncadd.s32 $0xFFFFE000;
	s18 =	sor.u32 $0x20, s15  }
0x2e: {  	s14 =	smul.u32 $0x8100, s14;
	v3 =	vld [tilespmem:s18+$0x10]  }
0x2f: {  	s30 =	sand.u32 $0x1, s11;
	v2 =	vld [tilespmem:s18+$0xFFFFFFF0]  }
0x30: {  	s15 =	smul.u32 $0x8100, s30;
	s14 =	sshrl.u32 s14, $0x2;
	v0 =	vld [tilespmem:s18+$0x0]  }
0x31: {  	v1 =	vld [tilespmem:s18+$0xFFFFFFE0];
	s16 =	sor.u32 $0x4000, s14  }
0x32: {  	s31 =	sshrl.u32 s15, $0x2;
	s15 =	sadd.s32 $0x0, s16  }
0x33: {  	s17 =	simm.s32 $0x4;
	s18 =	sadd.s32 $0x40, s18;
	s14 =	sor.u32 $0x4000, s31;
	[tilespmem:s15+$0x1830 ss:$0x81] =	vst.msk $0xffff, v3  }
.LBB1_3:
0x34: {  	v3 =	vld [tilespmem:s18+$0x10];
	p1 =	sne.s32 s17, $0x1FC;
	[tilespmem:s15+$0x810 ss:$0x81] =	vst.msk $0xffff, v2;
	s19 =	smov.u32 s17;
	s17 =	sadd.s32 $0x4, s17  }
.Ltmp3:
0x35: {  	v2 =	vld [tilespmem:s18+$0xFFFFFFF0];
	[tilespmem:s15+$0x1020 ss:$0x81] =	vst.msk $0xffff, v0;
	(pc) =	sbr.rel @p1 .LBB1_3-.Ltmp3, $4  }
0x36: {  	v0 =	vld [tilespmem:s18+$0x0];
	[tilespmem:s15+$0x0 ss:$0x81] =	vst.msk $0xffff, v1  }
0x37: {  	s15 =	sshra.s32 s19, $0x2;
	v1 =	vld [tilespmem:s18+$0xFFFFFFE0]  }
0x38: {  	s15 =	sadd.s32 s15, s16  }
0x39: {  	s18 =	sadd.s32 $0x40, s18;
	[tilespmem:s15+$0x1830 ss:$0x81] =	vst.msk $0xffff, v3  }
.Ltmp4:
0x3a: {  	_ = 	snop;
	(pc) =	sbr.rel .LBB1_4-.Ltmp4, $1  }
0x3b: {  	_ =	sdelay $0x3  }
.LBB1_6:
0x3c: {  	_ =	sfence.sel $0x180000  }
0x3d: {  	s2 =	simm.s32 $0x1;
	[bflag:$0x0] =	sbarrier.arrive $0xFFFF  }
0x3e: {  	s31 =	simm.s32 $0x2;
	[sflag:s2] =	ssyncpa.u1 $0x1  }
0x3f: {  	[sflag:s31] =	ssyncpa.u1 $0x1  }
0x40: {  	p0 =	sne.s32 s0, $0x0;
	_ =	strace $0x9000004A  }
0x41: {  	s0 =	sadd.s32 @!p0 $0x100000, s1;
	[bflag:$0x2] =	sbarrier.arrive $0xFFFF  }
0x42: {  	[sflag:s0] =	ssyncadd.tile.s32 @!p0 $0x1;
	_ =	shalt  }
.Lfunc_end1:
_tile_overlayer_lowered:
.L_overlay_start_2:
0x43: {  	(tag) =	ssettag $0x2  }
0x44: {  	s0 =	rddreg [dreg:$0x0];
	s2 =	stileid.u32  }
0x45: {  	s1 =	rddreg [dreg:$0x1];
	p0 =	sne.s32 s2, $0x0  }
0x46: {  	s3 =	rddreg [dreg:$0x2];
	[bflag:$0x3] =	sbarrier.arrive $0xFFFF;
	s2 =	simm.s32 @!p0 $0x1C01  }
0x47: {  	[timem:s3], [sflag:s2] =	dma.local @!p0 [hbm:s0], s1  }
0x48: {  	s0 =	simm.s32 @!p0 $0x1  }
0x49: {  	_ =	swait.ge @!p0 [sflag:s0], s1  }
0x4a: {  	s1 =	ssub.s32 @!p0 $0x0, s1;
	[sflag:s0] =	ssyncset.done @!p0 $0x0  }
0x4b: {  	[sflag:s0] =	ssyncadd.s32 @!p0 s1  }
0x4c: {  	[bflag:$0x3] =	sbarrier.arrive $0xFFFF  }
0x4d: {  	_ =	shalt  }

</sc_bundles>
